<compile_context>
chip_gen: v7x
topology: tpu7x:2x2x1
jax: 0.10.2.dev20260603
libtpu: 0.0.44.dev20260713+nightly
codegen_flags: <defaults>
</compile_context>

<pallas_src>
import jax
import jax.numpy as jnp
from jax import lax
from jax.experimental import pallas as pl
from jax.experimental.pallas import tpu as pltpu
from jax.experimental.pallas import tpu_sc as plsc

B = 4096
D = 64
L = 16

_info = plsc.get_sparse_core_info()
_NC, _NS = _info.num_cores, _info.num_subcores
_NW = _NC * _NS
_BPW = B // _NW


def _extract(idv, rr):
    return idv[pl.ds(rr, L)][0]


def _sc_user_body(ids, table, out, idv, ob, sem):
    w = lax.axis_index("s") * _NC + lax.axis_index("c")
    base = w * _BPW
    sl = pl.ds(base, _BPW)
    pltpu.sync_copy(ids.at[sl], idv.at[pl.ds(0, _BPW)])

    def fire(rr, carry):
        pltpu.async_copy(table.at[_extract(idv, rr)], ob.at[rr], sem)
        return carry

    def drain(rr, carry):
        pltpu.make_async_copy(table.at[0], ob.at[rr], sem).wait()
        return carry

    lax.fori_loop(0, _BPW, fire, 0)
    lax.fori_loop(0, _BPW, drain, 0)
    pltpu.sync_copy(ob, out.at[sl])


def _sc_item_cat_body(iids, cids, table, cat_tbl, out,
                      idv, idv2, obi, obc, sem, semc):
    w = lax.axis_index("s") * _NC + lax.axis_index("c")
    base = w * _BPW
    sl = pl.ds(base, _BPW)
    pltpu.sync_copy(iids.at[sl], idv.at[pl.ds(0, _BPW)])
    pltpu.sync_copy(cids.at[sl], idv2.at[pl.ds(0, _BPW)])

    def fire(rr, carry):
        pltpu.async_copy(table.at[_extract(idv, rr)], obi.at[rr], sem)
        pltpu.async_copy(cat_tbl.at[_extract(idv2, rr)], obc.at[rr], semc)
        return carry

    def drain(rr, carry):
        pltpu.make_async_copy(table.at[0], obi.at[rr], sem).wait()
        pltpu.make_async_copy(cat_tbl.at[0], obc.at[rr], semc).wait()
        return carry

    def addloop(rr, carry):
        for c in range(D // L):
            cs = pl.ds(c * L, L)
            obi[rr, cs] = obi[rr, cs] + obc[rr, cs]
        return carry

    lax.fori_loop(0, _BPW, fire, 0)
    lax.fori_loop(0, _BPW, drain, 0)
    lax.fori_loop(0, _BPW, addloop, 0)
    pltpu.sync_copy(obi, out.at[sl])


_MESH = dict(core_axis_name="c", subcore_axis_name="s")


@jax.jit
def _sc_user(ids, table):
    f = pl.kernel(
        _sc_user_body,
        out_type=jax.ShapeDtypeStruct((B, D), jnp.float32),
        mesh=plsc.VectorSubcoreMesh(**_MESH),
        scratch_types=[
            pltpu.VMEM((_BPW + L,), jnp.int32),
            pltpu.VMEM((_BPW, D), jnp.float32),
            pltpu.SemaphoreType.DMA,
        ],
        compiler_params=pltpu.CompilerParams(use_tc_tiling_on_sc=True),
    )
    return f(ids, table)


@jax.jit
def _sc_item_cat(iids, cids, table, cat_tbl):
    f = pl.kernel(
        _sc_item_cat_body,
        out_type=jax.ShapeDtypeStruct((B, D), jnp.float32),
        mesh=plsc.VectorSubcoreMesh(**_MESH),
        scratch_types=[
            pltpu.VMEM((_BPW + L,), jnp.int32),
            pltpu.VMEM((_BPW + L,), jnp.int32),
            pltpu.VMEM((_BPW, D), jnp.float32),
            pltpu.VMEM((_BPW, D), jnp.float32),
            pltpu.SemaphoreType.DMA,
            pltpu.SemaphoreType.DMA,
        ],
        compiler_params=pltpu.CompilerParams(use_tc_tiling_on_sc=True),
    )
    return f(iids, cids, table, cat_tbl)


_BN = 512


def _tc_body(ttT_ref, tagsT_ref, ipc_ref, user_ref, out_ref, uout_ref):
    acc = jnp.dot(ttT_ref[...], tagsT_ref[...],
                  preferred_element_type=jnp.float32)
    out_ref[...] = acc + ipc_ref[...].T
    uout_ref[...] = user_ref[...].T


@jax.jit
def _tc_matmul_add(ttT, tagsT, ipc, user_rows):
    k = ttT.shape[1]
    return pl.pallas_call(
        _tc_body,
        grid=(B // _BN,),
        in_specs=[
            pl.BlockSpec((D, k), lambda i: (0, 0)),
            pl.BlockSpec((k, _BN), lambda i: (0, i)),
            pl.BlockSpec((_BN, D), lambda i: (i, 0)),
            pl.BlockSpec((_BN, D), lambda i: (i, 0)),
        ],
        out_specs=[
            pl.BlockSpec((D, _BN), lambda i: (0, i)),
            pl.BlockSpec((D, _BN), lambda i: (0, i)),
        ],
        out_shape=[
            jax.ShapeDtypeStruct((D, B), jnp.float32),
            jax.ShapeDtypeStruct((D, B), jnp.float32),
        ],
        compiler_params=pltpu.CompilerParams(
            dimension_semantics=("arbitrary",),
        ),
    )(ttT, tagsT, ipc, user_rows)


def kernel(user_ids, item_ids, attr_category, attr_tags,
           user_table, item_table, category_table, tags_table):
    uids = user_ids.astype(jnp.int32)
    iids = item_ids.astype(jnp.int32)
    cids = attr_category.astype(jnp.int32)
    user_rows = _sc_user(uids, user_table)
    ipc = _sc_item_cat(iids, cids, item_table, category_table)
    item_totalT, user_embT = _tc_matmul_add(
        tags_table.T, attr_tags.T, ipc, user_rows)
    return (user_embT.T, item_totalT.T)

# --- scband reference (transcript-rebuilt; emitter-appended) ---
"""Pipeline reference for scband-embedding-layer-34797825032278 (READ-ONLY COPY).

The authoritative reference and input builder live on the scoring server;
editing this copy changes nothing except your own understanding.
"""

import jax, jax.numpy as jnp
import numpy as np

NUM_USERS = 100000
NUM_ITEMS = 100000
NUM_CAT = 1000
NUM_TAGS = 1000
B = 4096
D = 64

def setup_inputs(seed: int = 0) -> dict:
    key = jax.random.key(seed)
    ks = jax.random.split(key, 8)
    user_ids = jax.random.randint(ks[0], (B,), 0, NUM_USERS)
    item_ids = jax.random.randint(ks[1], (B,), 0, NUM_ITEMS)
    attr_category = jax.random.randint(ks[2], (B,), 0, NUM_CAT)
    attr_tags = jax.random.uniform(ks[3], (B, NUM_TAGS), dtype=jnp.float32)
    user_table = jax.random.normal(ks[4], (NUM_USERS, D), dtype=jnp.float32)
    item_table = jax.random.normal(ks[5], (NUM_ITEMS, D), dtype=jnp.float32)
    category_table = jax.random.normal(ks[6], (NUM_CAT, D), dtype=jnp.float32)
    tags_table = jax.random.normal(ks[7], (NUM_TAGS, D), dtype=jnp.float32)
    return {"user_ids": user_ids, "item_ids": item_ids,
            "attr_category": attr_category, "attr_tags": attr_tags,
            "user_table": user_table, "item_table": item_table,
            "category_table": category_table, "tags_table": tags_table}

def reference(user_ids, item_ids, attr_category, attr_tags,
              user_table, item_table, category_table, tags_table):
    user_emb = jnp.take(user_table, user_ids, axis=0)
    item_emb = jnp.take(item_table, item_ids, axis=0)
    # single-valued attribute: embedding lookup
    cat_emb = jnp.take(category_table, attr_category, axis=0)
    # multi-valued attribute: multi-hot float matmul with embedding matrix
    tags_emb = jnp.matmul(attr_tags, tags_table)
    # stack over attrs then sum (equivalent to summing the two attr embeddings)
    item_attr_emb = jnp.stack([cat_emb, tags_emb], axis=0).sum(axis=0)
    item_total_emb = item_emb + item_attr_emb
    return (user_emb, item_total_emb)

if __name__ == "__main__":
    import jax
    _d = setup_inputs()
    print(jax.jit(kernel)(*tuple(_d.values())))

</pallas_src>

<mosaic_0001>
#map = affine_map<(d0, d1) -> (0)>
#map1 = affine_map<(d0, d1) -> (0, 0)>
module attributes {stable_mosaic.version = 14 : i64} {
  func.func @_sc_user_body(%arg0: i32, %arg1: i32, %arg2: memref<4096xi32, #tpu.memory_space<hbm>>, %arg3: memref<100000x64xf32, #tpu.memory_space<hbm>>, %arg4: memref<4096x64xf32, #tpu.memory_space<hbm>>, %arg5: memref<144xi32, #tpu.memory_space<vmem>>, %arg6: memref<128x64xf32, #tpu.memory_space<vmem>>, %arg7: memref<!tpu.dma_semaphore, #tpu.memory_space<semaphore_mem>>) attributes {dimension_semantics = [#tpu.dimension_semantics<core_parallel>, #tpu.dimension_semantics<subcore_parallel>], iteration_bounds = array<i64: 2, 16>, scalar_prefetch = 0 : i64, scratch_operands = 3 : i64, tpu.core_type = #tpu.core_type<sc_vector_subcore>, window_params = [{transform_indices = #map}, {transform_indices = #map1}, {transform_indices = #map1}]} {
    %mul3A = arith.constant 2 : i32
    %mul3A_0 = arith.muli %arg1, %mul3A : i32
    %add3A = arith.addi %mul3A_0, %arg0 : i32
    %mul3A_1 = arith.constant 128 : i32
    %mul3A_2 = arith.muli %add3A, %mul3A_1 : i32
    "tpu.region"() ({
      %run_scoped3A = tpu.sem_alloc : memref<!tpu.dma_semaphore, #tpu.memory_space<semaphore_mem>>
      %dma_start3A = arith.constant 0 : i32
      %dma_start3A_14 = tpu.memref_slice %arg5[%dma_start3A] : memref<144xi32, #tpu.memory_space<vmem>> -> memref<128xi32, #tpu.memory_space<vmem>>
      %dma_start3A_15 = tpu.memref_slice %arg2[%mul3A_2] : memref<4096xi32, #tpu.memory_space<hbm>> -> memref<128xi32, #tpu.memory_space<hbm>>
      %dma_start3A_16 = arith.constant 0 : i32
      %dma_start3A_17 = tpu.memref_slice %arg5[%dma_start3A_16] : memref<144xi32, #tpu.memory_space<vmem>> -> memref<128xi32, #tpu.memory_space<vmem>>
      %dma_start3A_18 = tpu.memref_slice %arg2[%mul3A_2] : memref<4096xi32, #tpu.memory_space<hbm>> -> memref<128xi32, #tpu.memory_space<hbm>>
      tpu.enqueue_dma source(%dma_start3A_18 : memref<128xi32, #tpu.memory_space<hbm>>) target(%dma_start3A_17 : memref<128xi32, #tpu.memory_space<vmem>>) target_semaphore(%run_scoped3A : memref<!tpu.dma_semaphore, #tpu.memory_space<semaphore_mem>>)
      %dma_wait3A = arith.constant 0 : i32
      %dma_wait3A_19 = tpu.memref_slice %arg5[%dma_wait3A] : memref<144xi32, #tpu.memory_space<vmem>> -> memref<128xi32, #tpu.memory_space<vmem>>
      %dma_wait3A_20 = tpu.memref_slice %arg2[%mul3A_2] : memref<4096xi32, #tpu.memory_space<hbm>> -> memref<128xi32, #tpu.memory_space<hbm>>
      %dma_wait3A_21 = arith.constant 0 : i32
      %dma_wait3A_22 = tpu.memref_slice %arg5[%dma_wait3A_21] : memref<144xi32, #tpu.memory_space<vmem>> -> memref<128xi32, #tpu.memory_space<vmem>>
      %dma_wait3A_23 = tpu.memref_slice %arg2[%mul3A_2] : memref<4096xi32, #tpu.memory_space<hbm>> -> memref<128xi32, #tpu.memory_space<hbm>>
      tpu.wait_dma2 semaphore(%run_scoped3A : memref<!tpu.dma_semaphore, #tpu.memory_space<semaphore_mem>>) src(%dma_wait3A_23 : memref<128xi32, #tpu.memory_space<hbm>>) dst(%dma_wait3A_22 : memref<128xi32, #tpu.memory_space<vmem>>)
      tpu.yield
    }) : () -> ()
    %scan3A = arith.constant 0 : i32
    %scan3A_3 = arith.constant 0 : i32
    %scan3A_4 = arith.constant 128 : i32
    %scan3A_5 = arith.addi %scan3A_3, %scan3A_4 : i32
    %scan3A_6 = arith.constant 1 : i32
    scf.for %scan3A_14 = %scan3A_3 to %scan3A_5 step %scan3A_6  : i32 {
      %get3A = arith.index_cast %scan3A_14 : i32 to index
      %get3A_15 = tpu.vector_load %arg5[%get3A] {strides = array<i32>} : memref<144xi32, #tpu.memory_space<vmem>>, vector<16xi32>,
      %get3A_16 = vector.shape_cast %get3A_15 : vector<16xi32> to vector<16xi32>
      %slice3A = vector.extract_strided_slice %get3A_16 {offsets = [0], sizes = [1], strides = [1]} : vector<16xi32> to vector<1xi32>
      %squeeze3A = vector.extract %slice3A[0] : i32 from vector<1xi32>
      %dma_start3A = arith.constant 0 : i32
      %dma_start3A_17 = tpu.memref_slice %arg6[%scan3A_14, %dma_start3A] : memref<128x64xf32, #tpu.memory_space<vmem>> -> memref<1x64xf32, #tpu.memory_space<vmem>>
      %dma_start3A_18 = tpu.memref_squeeze %dma_start3A_17 : memref<1x64xf32, #tpu.memory_space<vmem>> -> memref<64xf32, #tpu.memory_space<vmem>>
      %dma_start3A_19 = arith.constant 0 : i32
      %dma_start3A_20 = tpu.memref_slice %arg3[%squeeze3A, %dma_start3A_19] : memref<100000x64xf32, #tpu.memory_space<hbm>> -> memref<1x64xf32, #tpu.memory_space<hbm>>
      %dma_start3A_21 = tpu.memref_squeeze %dma_start3A_20 : memref<1x64xf32, #tpu.memory_space<hbm>> -> memref<64xf32, #tpu.memory_space<hbm>>
      %dma_start3A_22 = arith.constant 0 : i32
      %dma_start3A_23 = tpu.memref_slice %arg6[%scan3A_14, %dma_start3A_22] : memref<128x64xf32, #tpu.memory_space<vmem>> -> memref<1x64xf32, #tpu.memory_space<vmem>>
      %dma_start3A_24 = tpu.memref_squeeze %dma_start3A_23 : memref<1x64xf32, #tpu.memory_space<vmem>> -> memref<64xf32, #tpu.memory_space<vmem>>
      %dma_start3A_25 = arith.constant 0 : i32
      %dma_start3A_26 = tpu.memref_slice %arg3[%squeeze3A, %dma_start3A_25] : memref<100000x64xf32, #tpu.memory_space<hbm>> -> memref<1x64xf32, #tpu.memory_space<hbm>>
      %dma_start3A_27 = tpu.memref_squeeze %dma_start3A_26 : memref<1x64xf32, #tpu.memory_space<hbm>> -> memref<64xf32, #tpu.memory_space<hbm>>
      tpu.enqueue_dma source(%dma_start3A_27 : memref<64xf32, #tpu.memory_space<hbm>>) target(%dma_start3A_24 : memref<64xf32, #tpu.memory_space<vmem>>) target_semaphore(%arg7 : memref<!tpu.dma_semaphore, #tpu.memory_space<semaphore_mem>>)
    }
    %scan3A_7 = arith.constant 128 : i32
    %scan3A_8 = arith.constant 0 : i32
    %scan3A_9 = arith.constant 0 : i32
    %scan3A_10 = arith.constant 128 : i32
    %scan3A_11 = arith.addi %scan3A_9, %scan3A_10 : i32
    %scan3A_12 = arith.constant 1 : i32
    scf.for %scan3A_14 = %scan3A_9 to %scan3A_11 step %scan3A_12  : i32 {
      %dma_wait3A = arith.constant 0 : i32
      %dma_wait3A_15 = arith.constant 0 : i32
      %dma_wait3A_16 = tpu.memref_slice %arg6[%scan3A_14, %dma_wait3A_15] : memref<128x64xf32, #tpu.memory_space<vmem>> -> memref<1x64xf32, #tpu.memory_space<vmem>>
      %dma_wait3A_17 = tpu.memref_squeeze %dma_wait3A_16 : memref<1x64xf32, #tpu.memory_space<vmem>> -> memref<64xf32, #tpu.memory_space<vmem>>
      %dma_wait3A_18 = arith.constant 0 : i32
      %dma_wait3A_19 = tpu.memref_slice %arg3[%dma_wait3A, %dma_wait3A_18] : memref<100000x64xf32, #tpu.memory_space<hbm>> -> memref<1x64xf32, #tpu.memory_space<hbm>>
      %dma_wait3A_20 = tpu.memref_squeeze %dma_wait3A_19 : memref<1x64xf32, #tpu.memory_space<hbm>> -> memref<64xf32, #tpu.memory_space<hbm>>
      %dma_wait3A_21 = arith.constant 0 : i32
      %dma_wait3A_22 = tpu.memref_slice %arg6[%scan3A_14, %dma_wait3A_21] : memref<128x64xf32, #tpu.memory_space<vmem>> -> memref<1x64xf32, #tpu.memory_space<vmem>>
      %dma_wait3A_23 = tpu.memref_squeeze %dma_wait3A_22 : memref<1x64xf32, #tpu.memory_space<vmem>> -> memref<64xf32, #tpu.memory_space<vmem>>
      %dma_wait3A_24 = arith.constant 0 : i32
      %dma_wait3A_25 = tpu.memref_slice %arg3[%dma_wait3A, %dma_wait3A_24] : memref<100000x64xf32, #tpu.memory_space<hbm>> -> memref<1x64xf32, #tpu.memory_space<hbm>>
      %dma_wait3A_26 = tpu.memref_squeeze %dma_wait3A_25 : memref<1x64xf32, #tpu.memory_space<hbm>> -> memref<64xf32, #tpu.memory_space<hbm>>
      tpu.wait_dma2 semaphore(%arg7 : memref<!tpu.dma_semaphore, #tpu.memory_space<semaphore_mem>>) src(%dma_wait3A_26 : memref<64xf32, #tpu.memory_space<hbm>>) dst(%dma_wait3A_23 : memref<64xf32, #tpu.memory_space<vmem>>)
    }
    %scan3A_13 = arith.constant 128 : i32
    "tpu.region"() ({
      %run_scoped3A = tpu.sem_alloc : memref<!tpu.dma_semaphore, #tpu.memory_space<semaphore_mem>>
      %dma_start3A = arith.constant 0 : i32
      %dma_start3A_14 = tpu.memref_slice %arg4[%mul3A_2, %dma_start3A] : memref<4096x64xf32, #tpu.memory_space<hbm>> -> memref<128x64xf32, #tpu.memory_space<hbm>>
      %dma_start3A_15 = arith.constant 0 : i32
      %dma_start3A_16 = tpu.memref_slice %arg4[%mul3A_2, %dma_start3A_15] : memref<4096x64xf32, #tpu.memory_space<hbm>> -> memref<128x64xf32, #tpu.memory_space<hbm>>
      tpu.enqueue_dma source(%arg6 : memref<128x64xf32, #tpu.memory_space<vmem>>) target(%dma_start3A_16 : memref<128x64xf32, #tpu.memory_space<hbm>>) target_semaphore(%run_scoped3A : memref<!tpu.dma_semaphore, #tpu.memory_space<semaphore_mem>>)
      %dma_wait3A = arith.constant 0 : i32
      %dma_wait3A_17 = tpu.memref_slice %arg4[%mul3A_2, %dma_wait3A] : memref<4096x64xf32, #tpu.memory_space<hbm>> -> memref<128x64xf32, #tpu.memory_space<hbm>>
      %dma_wait3A_18 = arith.constant 0 : i32
      %dma_wait3A_19 = tpu.memref_slice %arg4[%mul3A_2, %dma_wait3A_18] : memref<4096x64xf32, #tpu.memory_space<hbm>> -> memref<128x64xf32, #tpu.memory_space<hbm>>
      tpu.wait_dma2 semaphore(%run_scoped3A : memref<!tpu.dma_semaphore, #tpu.memory_space<semaphore_mem>>) src(%arg6 : memref<128x64xf32, #tpu.memory_space<vmem>>) dst(%dma_wait3A_19 : memref<128x64xf32, #tpu.memory_space<hbm>>)
      tpu.yield
    }) : () -> ()
    return
  }
}

</mosaic_0001>

<sc_bundles>
// kernel: _sc_user.3.cloned.1.call-start
scs
__scs_entry_jumppad:
0x0: {  	(pc) =	sbr.rel $0x88, $3  }
0x1: {  	(tag) =	ssettag $0x0;
	lr =	simm.s32 $0x1  }
0x2: {  	[smem:$0x3F9F] =	sst lr;
	_ =	strace $0xD0000000  }
0x3: {  	_ = 	snop  }
0x4: {  	_ = 	snop  }
0x5: {  	_ = 	snop  }
0x6: {  	_ = 	snop  }
0x7: {  	_ = 	snop  }
__scs_overlays_trampoline_lowered:
0x8: {  	[smem:$0x3FAE] =	sst s0  }
0x9: {  	[smem:$0x3FAF] =	sst s1  }
0xa: {  	[smem:$0x3FB0] =	sst s2  }
0xb: {  	[smem:$0x3FB1] =	sst s3  }
0xc: {  	[smem:$0x3FB2] =	sst s4  }
0xd: {  	[smem:$0x3FB3] =	sst s5  }
0xe: {  	[smem:$0x3FB4] =	sst s6  }
0xf: {  	[smem:$0x3FB5] =	sst s7  }
0x10: {  	[smem:$0x3FB6] =	sst s8  }
0x11: {  	[smem:$0x3FB7] =	sst s9;
	s0 =	simm.s32 @!p0 $0x0  }
0x12: {  	s1 =	sld [smem:$0x3F9D];
	s0 =	simm.s32 @p0 $0x1  }
0x13: {  	[smem:$0x3FB8] =	sst s0;
	s0 =	simm.s32 @!p1 $0x0  }
0x14: {  	s2 =	sld [smem:$0x3F9C];
	s0 =	simm.s32 @p1 $0x1  }
0x15: {  	[smem:$0x3FB9] =	sst s0;
	s0 =	simm.s32 @!p2 $0x0  }
0x16: {  	s3 =	sld [smem:$0x3FDB];
	s0 =	simm.s32 @p2 $0x1  }
0x17: {  	s4 =	simm.s32 $0x1BF5;
	[smem:$0x3FBB] =	sst s0  }
0x18: {  	s0 =	sld [smem:$0x3F9E];
	_ =	swait.ge [sflag:s4], $0x0  }
0x19: {  	s7 =	sld [smem:$0x3F9F]  }
0x1a: {  	s8 =	sadd.s32 $0xFFFFE003, lr  }
0x1b: {  	s9 =	sadd.s32 $0xFFFFFEF7, lr;
	s5 =	simm.s32 $0xFFFFFFFF;
	p2 =	slt.u32 s8, $0xFFFFF086  }
0x1c: {  	p1 =	slt.u32 s9, $0xF7A;
	s5 =	simm.s32 @!p2 $0x0  }
0x1d: {  	s5 =	simm.s32 @p1 $0x1;
	p0 =	seq.s32 s7, s2  }
0x1e: {  	s7 =	smul.u32 @!p0 $0xF7A, s2;
	p2 =	seq.s32 @!p0 s5, $0x0  }
0x1f: {  	s9 =	smul.u32 $0xF7A, s1;
	s8 =	simm.s32 @!p0 $0x1BF5;
	p2 =	por !p2, p0  }
0x20: {  	[sflag:s8] =	ssyncset.s32 @!p0 $0xFFFFF086;
	s6 =	sadd.s32 @!p0 s3, s7;
	s7 =	simm.s32 @!p0 $0x108  }
0x21: {  	s3 =	sadd.s32 s3, s9;
	s6 =	sadd.s32 @!p0 $0x88, s6;
	s7 =	simm.s32 @p2 $0x1082  }
0x22: {  	[simem:s7], [sflag:s8] =	dma.local @!p0 [hbm:s6], $0xF7A  }
0x23: {  	s9 =	sor.u32 $0xD0000000, s2;
	s6 =	simm.s32 $0x108;
	_ =	swait.ge @!p0 [sflag:s8], $0x0  }
0x24: {  	s3 =	sadd.s32 $0x88, s3;
	s6 =	simm.s32 @!p1 $0x1082;
	[sflag:s4] =	ssyncset.s32 $0xFFFFF086  }
0x25: {  	[simem:s6], [sflag:s4] =	dma.local [hbm:s3], $0xF7A  }
0x26: {  	[smem:$0x3F9F] =	sst s1;
	(tag) =	ssettag s2;
	_ =	strace s9  }
0x27: {  	s1 =	sld [smem:$0x3FAF]  }
0x28: {  	s2 =	sld [smem:$0x3FB0]  }
0x29: {  	s4 =	sld [smem:$0x3FB2]  }
0x2a: {  	p0 =	seq.s32 s5, $0x0;
	s5 =	sld [smem:$0x3FB3]  }
0x2b: {  	s6 =	sld [smem:$0x3FB4]  }
0x2c: {  	s7 =	sld [smem:$0x3FB5]  }
0x2d: {  	s3 =	simm.s32 $0x108;
	s8 =	sld [smem:$0x3FB6]  }
0x2e: {  	s3 =	simm.s32 @!p0 $0x1082;
	s9 =	sld [smem:$0x3FB7]  }
0x2f: {  	lr =	sadd.s32 s0, s3;
	s0 =	sld [smem:$0x3FAE]  }
0x30: {  	s3 =	sld [smem:$0x3FB1]  }
0x31: {  	[smem:$0x3FBA] =	sst s10  }
0x32: {  	s10 =	sld [smem:$0x3FB8];
	_ =	sdelay $0x3  }
0x33: {  	p0 =	seq.s32 s10, $0x1;
	s10 =	sld [smem:$0x3FBA];
	_ =	sdelay $0x3  }
0x34: {  	[smem:$0x3FBA] =	sst s10  }
0x35: {  	s10 =	sld [smem:$0x3FB9];
	_ =	sdelay $0x3  }
0x36: {  	p1 =	seq.s32 s10, $0x1;
	s10 =	sld [smem:$0x3FBA];
	_ =	sdelay $0x3  }
0x37: {  	[smem:$0x3FBA] =	sst s10  }
0x38: {  	s10 =	sld [smem:$0x3FBB]  }
0x39: {  	_ = 	snop;
	(pc) =	sbr.ind lr, $3  }
0x3a: {  	_ = 	snop  }
0x3b: {  	_ = 	snop  }
0x3c: {  	p2 =	seq.s32 s10, $0x1;
	s10 =	sld [smem:$0x3FBA]  }
0x3d: {  	_ =	shalt  }
0x3e: {  	_ =	shalt  }
0x3f: {  	_ =	shalt  }
0x40: {  	_ =	shalt  }
0x41: {  	_ =	shalt  }
0x42: {  	_ =	shalt  }
0x43: {  	_ =	shalt  }
0x44: {  	_ =	shalt  }
0x45: {  	_ =	shalt  }
0x46: {  	_ =	shalt  }
0x47: {  	_ =	shalt  }
0x48: {  	_ =	shalt  }
0x49: {  	_ =	shalt  }
0x4a: {  	_ =	shalt  }
0x4b: {  	_ =	shalt  }
0x4c: {  	_ =	shalt  }
0x4d: {  	_ =	shalt  }
0x4e: {  	_ =	shalt  }
0x4f: {  	_ =	shalt  }
0x50: {  	_ =	shalt  }
0x51: {  	_ =	shalt  }
0x52: {  	_ =	shalt  }
0x53: {  	_ =	shalt  }
0x54: {  	_ =	shalt  }
0x55: {  	_ =	shalt  }
0x56: {  	_ =	shalt  }
0x57: {  	_ =	shalt  }
0x58: {  	_ =	shalt  }
0x59: {  	_ =	shalt  }
0x5a: {  	_ =	shalt  }
0x5b: {  	_ =	shalt  }
0x5c: {  	_ =	shalt  }
0x5d: {  	_ =	shalt  }
0x5e: {  	_ =	shalt  }
0x5f: {  	_ =	shalt  }
0x60: {  	_ =	shalt  }
0x61: {  	_ =	shalt  }
0x62: {  	_ =	shalt  }
0x63: {  	_ =	shalt  }
0x64: {  	_ =	shalt  }
0x65: {  	_ =	shalt  }
0x66: {  	_ =	shalt  }
0x67: {  	_ =	shalt  }
0x68: {  	_ =	shalt  }
0x69: {  	_ =	shalt  }
0x6a: {  	_ =	shalt  }
0x6b: {  	_ =	shalt  }
0x6c: {  	_ =	shalt  }
0x6d: {  	_ =	shalt  }
0x6e: {  	_ =	shalt  }
0x6f: {  	_ =	shalt  }
0x70: {  	_ =	shalt  }
0x71: {  	_ =	shalt  }
0x72: {  	_ =	shalt  }
0x73: {  	_ =	shalt  }
0x74: {  	_ =	shalt  }
0x75: {  	_ =	shalt  }
0x76: {  	_ =	shalt  }
0x77: {  	_ =	shalt  }
0x78: {  	_ =	shalt  }
0x79: {  	_ =	shalt  }
0x7a: {  	_ =	shalt  }
0x7b: {  	_ =	shalt  }
0x7c: {  	_ =	shalt  }
0x7d: {  	_ =	shalt  }
0x7e: {  	_ =	shalt  }
0x7f: {  	_ =	shalt  }
0x80: {  	_ =	shalt  }
0x81: {  	_ =	shalt  }
0x82: {  	_ =	shalt  }
0x83: {  	_ =	shalt  }
0x84: {  	_ =	shalt  }
0x85: {  	_ =	shalt  }
0x86: {  	_ =	shalt  }
0x87: {  	_ =	shalt  }
.Lfunc_end0:
.L_simem_size_0:
called_computation_lowered:
.L_overlay_start_0:
0x88: {  	s2 =	sld [smem:$0x3FD9]  }
0x89: {  	s3 =	sld [smem:$0x3FFE];
	_ =	sdelay $0x1  }
0x8a: {  	s1 =	srdreg.scid  }
0x8b: {  	s0 =	sand.u32 $0x1, s1  }
0x8c: {  	s17 =	sshll.u32 s0, $0xA;
	s2 =	sadd.s32 s3, s2  }
0x8d: {  	s2 =	sadd.s32 s2, s17  }
0x8e: {  	[smem:$0x3FC6] =	sst s2  }
0x8f: {  	_ = 	snop  }
0x90: {  	s2 =	sld [smem:$0x3FC9];
	(tm) =	ssettm $0x1  }
0x91: {  	s18 =	sld [smem:$0x3FFB];
	_ =	sdelay $0x3  }
0x92: {  	_ =	strace s18  }
0x93: {  	s3 =	sld [smem:$0x3FFC];
	_ =	sdelay $0x3  }
0x94: {  	_ =	strace s3  }
0x95: {  	s3 =	sld [smem:$0x3FFD];
	_ =	sdelay $0x3  }
0x96: {  	_ =	strace s3  }
0x97: {  	_ =	strace $0x8FFFFFFF  }
0x98: {  	s19 =	sld [smem:$0x3FDB];
	_ =	sdelay $0x1  }
0x99: {  	s4 =	simm.s32 $_scs_section_size  }
0x9a: {  	s5 =	simm.s32 $_size__tile_overlayer_lowered;
	s6 =	simm.s32 $_tile_overlayer_lowered  }
0x9b: {  	s22 =	simm.s32 $0x1BFF;
	s21 =	sshll.u32 s6, $0x1;
	s3 =	sadd.s32 s4, s19  }
0x9c: {  	s7 =	simm.s32 $0x0;
	s20 =	sshll.u32 s5, $0x1;
	s5 =	sadd.s32 s21, s3  }
0x9d: {  	[timem:s7], [sflag:s22] =	dma.local [hbm:s5], s20  }
0x9e: {  	_ =	swait.ge [sflag:s22], s20  }
0x9f: {  	s4 =	ssub.s32 $0x0, s20;
	[sflag:s22] =	ssyncset.done $0x0  }
0xa0: {  	[sflag:s22] =	ssyncadd.s32 s4;
	_ =	sdelay $0x1  }
0xa1: {  	s23 =	simm.s32 $0x1B8B  }
0xa2: {  	_ =	swait.ge [sflag:s23], $0x1  }
0xa3: {  	[sflag:s23] =	ssyncset.done $0x0  }
0xa4: {  	s25 =	simm.s32 $0x1B8E;
	s24 =	sld [smem:$0x3FFE];
	[sflag:s23] =	ssyncadd.s32 $0xFFFFFFFF  }
0xa5: {  	s26 =	simm.s32 $execute0_lowered;
	[smem:$0x3FD2] =	sst s25  }
0xa6: {  	s5 =	sshll.u32 s26, $0x1;
	_ =	strace $0x80000046;
	[dreg:$0x1] =	wrdreg $0xFFFFFFFF  }
0xa7: {  	s28 =	simm.s32 $_size_execute0_lowered;
	s3 =	sadd.s32 s3, s5;
	[dreg:$0x0] =	wrdreg $0x0  }
0xa8: {  	s5 =	sshll.u32 s28, $0x1;
	[dreg:$0x2] =	wrdreg s3  }
0xa9: {  	[dreg:$0x3] =	wrdreg s5  }
0xaa: {  	[dreg:$0x4] =	wrdreg $0xC0  }
0xab: {  	_ =	task [dreg:s7], $0x5FFFF  }
0xac: {  	[dreg:$0x1] =	wrdreg $0xFFFFFFFF  }
0xad: {  	[dreg:$0x0] =	wrdreg $0x60  }
0xae: {  	[dreg:$0x2] =	wrdreg s2  }
0xaf: {  	[dreg:$0x3] =	wrdreg s24  }
0xb0: {  	[dreg:$0x4] =	wrdreg $0x9  }
0xb1: {  	_ =	task.clear_ibuf [dreg:s7], $0x5FFFF;
	_ =	strace $0x90000046  }
0xb2: {  	s29 =	simm.s32 $0x9;
	_ =	strace $0x80000048  }
0xb3: {  	_ =	swait.ge [sflag:s29], $0x1  }
0xb4: {  	[sflag:s29] =	ssyncadd.s32 $0xFFFFFFFF  }
0xb5: {  	_ =	strace $0x90000048  }
0xb6: {  	_ =	sfence  }
0xb7: {  	s30 =	sld [smem:$0x0];
	_ =	sdelay $0x2  }
0xb8: {  	s31 =	sshll.u32 s1, $0xD;
	s1 =	sshrl.u32 s1, $0x2  }
0xb9: {  	s3 =	sand.u32 $0x4000, s31;
	s1 =	sadd.s32 s1, s30  }
0xba: {  	s0 =	sor.u32 s3, s0;
	s1 =	sshll.u32 s1, $0x11  }
0xbb: {  	s0 =	sor.u32 s1, s0  }
0xbc: {  	s0 =	sadd.s32 $0x8F2B, s0  }
0xbd: {  	[sflag:s0] =	ssyncadd.remote.s32 $0x1  }
0xbe: {  	_ =	sfence.sel $0xFFFF  }
0xbf: {  	[dreg:$0x0] =	wrdreg $0xFFFFFFFF;
	(pc) =	sbr.abs _section_cstart, $3  }
0xc0: {  	[dreg:$0x1] =	wrdreg $0xFFFFFFFF  }
0xc1: {  	_ =	task.clear_ibuf [dreg:s7], $0x2FFFF;
	_ =	strace $0x9FFFFFFF  }
0xc2: {  	(tm) =	ssettm $0x7FFFFFFF  }
0xc3: {  	_ =	shalt  }
tec
execute0_lowered:
.L_overlay_start_1:
0x0: {  	(tag) =	ssettag $0x1  }
0x1: {  	s4 =	rddreg [dreg:$0x0]  }
0x2: {  	s5 =	rddreg [dreg:$0x1]  }
0x3: {  	s0 =	rddreg [dreg:$0x2];
	s2 =	simm.s32 $0x0;
	s3 =	srdreg.scid  }
0x4: {  	s1 =	stileid.u32;
	s10 =	simm.s32 $0x0;
	s6 =	sand.u32 $0x1, s3  }
0x5: {  	[smem:$0x7FF] =	sst s2;
	s7 =	sshll.u32 s1, $0x8;
	s8 =	sshll.u32 s6, $0x7  }
0x6: {  	s3 =	sadd.s32 $0x400, s5;
	s6 =	ssub.s32 $0x2, s6;
	s7 =	sor.u32 s8, s7  }
0x7: {  	_ =	strace $0x80000047;
	s9 =	sshrl.u32 s6, $0x1;
	s8 =	sshll.u32 s7, $0x4  }
0x8: {  	s7 =	sshrl.u32 s7, $0x3;
	s6 =	ssub.s32 s6, s9;
	s9 =	simm.s32 $0x100  }
0x9: {  	s5 =	sadd.s32 s8, s5;
	s4 =	sadd.s32 s4, s7;
	s6 =	smax.u32 s6, $0x1  }
0xa: {  	s7 =	simm.s32 $0x2;
	s8 =	simm.s32 $0x1;
	s5 =	sadd.s32 $0x186E00, s5  }
.LBB2_1:
0xb: {  	[tilespmem:s2], [sflag:$0x2] =	stream.linear.gather [hbm4b:s4+s2], $0x80, $0x38;
	[tilespmem:$0x4100] =	vst v63  }
0xc: {  	_ =	swait.ge [sflag:s7], $0x80  }
0xd: {  	[sflag:s7] =	ssyncset.done $0x0  }
0xe: {  	s11 =	simm.s32 $0x0;
	[sflag:s7] =	ssyncadd.s32 $0xFFFFFF80  }
0xf: {  	v0 =	vld [tilespmem:s11+$0x0];
	_ =	sdelay $0x4  }
0x10: {  	(v2sf) =	vpush v0, $0x0;
	_ =	sdelay $0xe  }
0x11: {  	s30 =	spop (v2sf)  }
0x12: {  	s11 =	sshll.u32 s30, $0x4  }
0x13: {  	s11 =	sand.u32 $0x1FFFFFF0, s11  }
0x14: {  	s31 =	simm.s32 $0x1;
	s11 =	sadd.s32 s3, s11  }
0x15: {  	[tilespmem:s9], [sflag:$0x1] =	stream.linear.gather [hbm4b:s11+s2], $0x80, $0x38;
	[tilespmem:$0x4100] =	vst v63  }
0x16: {  	s12 =	simm.s32 $0x8;
	s11 =	simm.s32 $0x100;
	v0 =	vld [tilespmem:s31+$0x0]  }
.LBB2_2:
0x17: {  	p0 =	sne.s32 s12, $0x1FC;
	_ =	sdelay $0x3  }
0x18: {  	(v2sf) =	vpush v0, $0x0;
	_ =	sdelay $0xe  }
0x19: {  	s13 =	spop (v2sf)  }
.Ltmp0:
0x1a: {  	s13 =	sshll.u32 s13, $0x4;
	(pc) =	sbr.rel @p0 .LBB2_2-.Ltmp0, $4  }
0x1b: {  	s13 =	sand.u32 $0x1FFFFFF0, s13  }
0x1c: {  	s14 =	sshra.s32 s12, $0x2;
	s11 =	sadd.s32 $0x80, s11;
	s13 =	sadd.s32 s3, s13  }
0x1d: {  	[tilespmem:s11], [sflag:$0x1] =	stream.linear.gather [hbm4b:s13+s2], $0x80, $0x38;
	[tilespmem:$0x4100] =	vst v63  }
0x1e: {  	s12 =	sadd.s32 $0x4, s12;
	v0 =	vld [tilespmem:s14+$0x0]  }
0x1f: {  	_ =	sdelay $0x3  }
0x20: {  	(v2sf) =	vpush v0, $0x0;
	_ =	sdelay $0xe  }
0x21: {  	s12 =	spop (v2sf)  }
0x22: {  	s12 =	sshll.u32 s12, $0x4  }
0x23: {  	s12 =	sand.u32 $0x1FFFFFF0, s12  }
0x24: {  	s11 =	sadd.s32 $0x80, s11;
	s12 =	sadd.s32 s3, s12  }
0x25: {  	[tilespmem:s11], [sflag:$0x1] =	stream.linear.gather [hbm4b:s12+s2], $0x80, $0x38;
	[tilespmem:$0x4100] =	vst v63  }
0x26: {  	_ =	swait.ge [sflag:s8], $0x80  }
0x27: {  	s11 =	simm.s32 $0x7F;
	[sflag:s8] =	ssyncset.done $0x0  }
.LBB2_4:
0x28: {  	p0 =	sne.s32 s11, $0x1;
	s11 =	sadd.s32 $0xFFFFFFFF, s11;
	[sflag:s8] =	ssyncadd.s32 $0xFFFFFF80  }
.Ltmp1:
0x29: {  	(pc) =	sbr.rel @p0 .LBB2_4-.Ltmp1, $3  }
0x2a: {  	_ =	sdelay $0x1  }
0x2b: {  	_ =	swait.ge [sflag:s8], $0x80  }
0x2c: {  	[sflag:s8] =	ssyncset.done $0x0  }
0x2d: {  	s10 =	sadd.s32 $0x1, s10  }
0x2e: {  	p0 =	sne.s32 s10, s6  }
.Ltmp2:
0x2f: {  	[sflag:s8] =	ssyncadd.s32 $0xFFFFFF80;
	(pc) =	sbr.rel @p0 .LBB2_1-.Ltmp2, $4  }
0x30: {  	[hbm4b:s5+s2] =	stream.linear.scatter [tilespmem:s9], [sflag:$0x2], $0x4000, $0x38;
	[tilespmem:$0x4100] =	vst v63  }
0x31: {  	_ =	swait.ge [sflag:s7], $0x4000  }
0x32: {  	[sflag:s7] =	ssyncset.done $0x0  }
0x33: {  	[sflag:s7] =	ssyncadd.s32 $0xFFFFC000  }
0x34: {  	_ =	sfence.sel $0x180000  }
0x35: {  	[bflag:$0x0] =	sbarrier.arrive $0xFFFF  }
0x36: {  	p0 =	sne.s32 s1, $0x0;
	_ =	strace $0x90000047  }
0x37: {  	s0 =	sadd.s32 @!p0 $0x100000, s0;
	[bflag:$0x2] =	sbarrier.arrive $0xFFFF  }
0x38: {  	[sflag:s0] =	ssyncadd.tile.s32 @!p0 $0x1;
	_ =	shalt  }
.Lfunc_end2:
_tile_overlayer_lowered:
.L_overlay_start_2:
0x39: {  	(tag) =	ssettag $0x2  }
0x3a: {  	s0 =	rddreg [dreg:$0x0];
	s2 =	stileid.u32  }
0x3b: {  	s1 =	rddreg [dreg:$0x1];
	p0 =	sne.s32 s2, $0x0  }
0x3c: {  	s3 =	rddreg [dreg:$0x2];
	[bflag:$0x3] =	sbarrier.arrive $0xFFFF;
	s2 =	simm.s32 @!p0 $0x1C02  }
0x3d: {  	[timem:s3], [sflag:s2] =	dma.local @!p0 [hbm:s0], s1  }
0x3e: {  	s0 =	simm.s32 @!p0 $0x2  }
0x3f: {  	_ =	swait.ge @!p0 [sflag:s0], s1  }
0x40: {  	s1 =	ssub.s32 @!p0 $0x0, s1;
	[sflag:s0] =	ssyncset.done @!p0 $0x0  }
0x41: {  	[sflag:s0] =	ssyncadd.s32 @!p0 s1  }
0x42: {  	[bflag:$0x3] =	sbarrier.arrive $0xFFFF  }
0x43: {  	_ =	shalt  }

</sc_bundles>
